<compile_context>
chip_gen: v7x
topology: tpu7x:2x2x1
jax: 0.10.2.dev20260603
libtpu: 0.0.44.dev20260713+nightly
codegen_flags: <defaults>
</compile_context>

<pallas_src>
import functools

import numpy as np
import jax
import jax.numpy as jnp
from jax import lax
from jax.experimental import pallas as pl
from jax.experimental.pallas import tpu as pltpu
from jax.experimental.pallas import tpu_sc as plsc

_J = 8
_L = 8
_L1 = 4

_C = 1792
_H = 224
_W = 224
_S = _H * _W


def _ratio_index_lists():
    par1, par2, per1, per2, q1, q2 = [], [], [], [], [], []
    for j1 in range(_J):
        for j2 in range(j1 + 1, _J):
            for l2 in range(_L):
                ci2 = (_L1 * _L * (_J - j1 - 1) + l2 + _L * (j2 - j1 - 1)
                       + _L ** 2 * (j1 * (_J - 1) - j1 * (j1 - 1) // 2))
                ci1 = _L1 + j1 * _L
                if l2 == _L1:
                    par1.append(ci1); par2.append(ci2)
                if l2 == _L1 + _L / 2 or l2 == _L1 - _L / 2:
                    per1.append(ci1); per2.append(ci2)
                if l2 == _L1 + _L // 4 or l2 == _L1 - _L // 4:
                    q1.append(ci1); q2.append(ci2)
    return (np.array(par1, np.int32), np.array(par2, np.int32),
            np.array(per1, np.int32), np.array(per2, np.int32),
            np.array(q1, np.int32), np.array(q2, np.int32))


_P1, _P2, _R1, _R2, _Q1, _Q2 = _ratio_index_lists()
_N_PAR = len(_P1)
_N_PER = len(_R1)
_N_QUART = len(_Q1)

_DEN = np.array(sorted(set(_P1) | set(_R1) | set(_Q1)), np.int32)
_DEN_POS = {int(c): i for i, c in enumerate(_DEN)}
_DPAD = 8 - len(_DEN)

_CHAN = np.concatenate([
    _P2, _R2, _DEN, np.zeros(_DPAD, np.int32),
    _Q2, _DEN, np.zeros(_DPAD, np.int32),
]).astype(np.int32)
assert _CHAN.shape == (128,)

_IDXN = np.concatenate([
    np.arange(56, dtype=np.int32), np.zeros(8, np.int32),
    64 + np.arange(56, dtype=np.int32), np.zeros(8, np.int32)])
_IDXD = np.concatenate([
    np.array([56 + _DEN_POS[int(c)] for c in _P1], np.int32),
    np.array([56 + _DEN_POS[int(c)] for c in _R1], np.int32),
    np.zeros(8, np.int32),
    np.array([120 + _DEN_POS[int(c)] for c in _Q1], np.int32),
    np.zeros(8, np.int32)])


_NCH = 128
_KOP = 8
_NST = _NCH // _KOP


def _mean_body(chan_ref, *refs):
    x_refs = refs[:_KOP]
    o_ref = refs[_KOP]
    acc_ref = refs[_KOP + 1]
    i = pl.program_id(0)
    lanes = lax.broadcasted_iota(jnp.int32, (1, _NCH), 1)

    @pl.when(i == 0)
    def _init():
        acc_ref[...] = jnp.zeros((1, _NCH), jnp.float32)

    acc = acc_ref[...]
    for q in range(_KOP):
        s = jnp.sum(x_refs[q][...])
        acc = jnp.where(lanes == i * _KOP + q, s, acc)
    acc_ref[...] = acc

    @pl.when(i == _NST - 1)
    def _emit():
        o_ref[...] = acc_ref[...] * (1.0 / _S)


def _gathered_means(x):
    def _imap(q):
        return lambda i, chan: (chan[i * _KOP + q], 0, 0)

    grid_spec = pltpu.PrefetchScalarGridSpec(
        num_scalar_prefetch=1,
        grid=(_NST,),
        in_specs=[pl.BlockSpec((1, _H, _W), _imap(q)) for q in range(_KOP)],
        out_specs=pl.BlockSpec((1, _NCH), lambda i, chan: (0, 0)),
        scratch_shapes=[pltpu.VMEM((1, _NCH), jnp.float32)],
    )
    return pl.pallas_call(
        _mean_body,
        grid_spec=grid_spec,
        out_shape=jax.ShapeDtypeStruct((1, _NCH), jnp.float32),
    )(jnp.asarray(_CHAN), *([x] * _KOP))



@functools.lru_cache(maxsize=1)
def _make_ratio_kernel():
    mesh = plsc.VectorSubcoreMesh(core_axis_name="c", subcore_axis_name="s")

    @functools.partial(
        pl.kernel,
        mesh=mesh,
        compiler_params=pltpu.CompilerParams(needs_layout_passes=False),
        out_type=jax.ShapeDtypeStruct((128,), jnp.float32),
        scratch_types=[
            pltpu.VMEM((128,), jnp.float32),
            pltpu.VMEM((128,), jnp.int32),
            pltpu.VMEM((128,), jnp.int32),
            pltpu.VMEM((128,), jnp.float32),
        ],
    )
    def _ratio_kernel(sti_hbm, idxn_hbm, idxd_hbm, out_hbm,
                      sti_v, idxn_v, idxd_v, out_v):
        wid = lax.axis_index("s") * 2 + lax.axis_index("c")

        @pl.when(wid == 0)
        def _work():
            pltpu.sync_copy(sti_hbm, sti_v)
            pltpu.sync_copy(idxn_hbm, idxn_v)
            pltpu.sync_copy(idxd_hbm, idxd_v)
            for i in range(8):
                sl = pl.ds(i * 16, 16)
                num = plsc.load_gather(sti_v, [idxn_v[sl]])
                den = plsc.load_gather(sti_v, [idxd_v[sl]])
                out_v[sl] = num / den
            pltpu.sync_copy(out_v, out_hbm)

    return _ratio_kernel


def kernel(x):
    means = _gathered_means(x).reshape(_NCH)
    ratios = _make_ratio_kernel()(means,
                                  jnp.asarray(_IDXN),
                                  jnp.asarray(_IDXD))
    scat_par = ratios[:_N_PAR]
    scat_per = ratios[28:28 + _N_PER]
    scat_quart = ratios[64:64 + _N_QUART]
    return (scat_par, scat_per, scat_quart)

# --- scband reference (transcript-rebuilt; emitter-appended) ---
"""Pipeline reference for scband-s2-net-3753801416922 (READ-ONLY COPY).

The authoritative reference and input builder live on the scoring server;
editing this copy changes nothing except your own understanding.
"""

import jax, jax.numpy as jnp
import numpy as np

J = 8
L = 8
L1 = 4  # layer1_orientation

def _build_indices(J, L, l1):
    par1, par2 = [], []
    per1, per2 = [], []
    q1, q2 = [], []
    for j1 in range(J):
        for j2 in range(j1 + 1, J):
            for l2 in range(L):
                ci2 = l1 * L * (J - j1 - 1) + l2 + L * (j2 - j1 - 1) + L ** 2 * (j1 * (J - 1) - j1 * (j1 - 1) // 2)
                ci1 = l1 + j1 * L
                if l1 == l2:
                    par1.append(ci1); par2.append(ci2)
                if l2 == l1 + L / 2 or l2 == l1 - L / 2:
                    per1.append(ci1); per2.append(ci2)
                if l2 == l1 + L // 4 or l2 == l1 - L // 4:
                    q1.append(ci1); q2.append(ci2)
    return (np.array(par1, dtype=np.int32), np.array(par2, dtype=np.int32),
            np.array(per1, dtype=np.int32), np.array(per2, dtype=np.int32),
            np.array(q1, dtype=np.int32), np.array(q2, dtype=np.int32))

PAR1, PAR2, PER1, PER2, Q1, Q2 = _build_indices(J, L, L1)

def setup_inputs(seed: int = 0) -> dict:
    key = jax.random.key(seed)
    x = jax.random.uniform(key, (1792, 224, 224), dtype=jnp.float32, minval=0.1, maxval=1.0)
    return {"x": x}

def reference(x):
    xs = jnp.squeeze(x)
    # spatial mean over last two dims
    sti = xs.mean(axis=(xs.ndim - 2, xs.ndim - 1))
    scat_par = jnp.take(sti, jnp.asarray(PAR2), axis=0) / jnp.take(sti, jnp.asarray(PAR1), axis=0)
    scat_per = jnp.take(sti, jnp.asarray(PER2), axis=0) / jnp.take(sti, jnp.asarray(PER1), axis=0)
    scat_quart = jnp.take(sti, jnp.asarray(Q2), axis=0) / jnp.take(sti, jnp.asarray(Q1), axis=0)
    return (scat_par, scat_per, scat_quart)

if __name__ == "__main__":
    import jax
    _d = setup_inputs()
    print(jax.jit(kernel)(*tuple(_d.values())))

</pallas_src>

<mosaic_0001>
#map = affine_map<(d0, d1) -> (0)>
module attributes {stable_mosaic.version = 14 : i64} {
  func.func @_ratio_kernel(%arg0: i32, %arg1: i32, %arg2: memref<128xf32, #tpu.memory_space<hbm>>, %arg3: memref<128xi32, #tpu.memory_space<hbm>>, %arg4: memref<128xi32, #tpu.memory_space<hbm>>, %arg5: memref<128xf32, #tpu.memory_space<hbm>>, %arg6: memref<128xf32, #tpu.memory_space<vmem>>, %arg7: memref<128xi32, #tpu.memory_space<vmem>>, %arg8: memref<128xi32, #tpu.memory_space<vmem>>, %arg9: memref<128xf32, #tpu.memory_space<vmem>>) attributes {dimension_semantics = [#tpu.dimension_semantics<core_parallel>, #tpu.dimension_semantics<subcore_parallel>], iteration_bounds = array<i64: 2, 16>, scalar_prefetch = 0 : i64, scratch_operands = 4 : i64, tpu.core_type = #tpu.core_type<sc_vector_subcore>, window_params = [{transform_indices = #map}, {transform_indices = #map}, {transform_indices = #map}, {transform_indices = #map}]} {
    %mul3A = arith.constant 2 : i32
    %mul3A_0 = arith.muli %arg1, %mul3A : i32
    %add3A = arith.addi %mul3A_0, %arg0 : i32
    %eq3A = arith.constant 0 : i32
    %eq3A_1 = arith.cmpi eq, %add3A, %eq3A : i32
    %convert_element_type3A = arith.extui %eq3A_1 : i1 to i32
    %cond3A = arith.constant 0 : i32
    %cond3A_2 = arith.cmpi ne, %convert_element_type3A, %cond3A : i32
    scf.if %cond3A_2 {
      "tpu.region"() ({
        %run_scoped3A = tpu.sem_alloc : memref<!tpu.dma_semaphore, #tpu.memory_space<semaphore_mem>>
        tpu.enqueue_dma source(%arg2 : memref<128xf32, #tpu.memory_space<hbm>>) target(%arg6 : memref<128xf32, #tpu.memory_space<vmem>>) target_semaphore(%run_scoped3A : memref<!tpu.dma_semaphore, #tpu.memory_space<semaphore_mem>>)
        tpu.wait_dma2 semaphore(%run_scoped3A : memref<!tpu.dma_semaphore, #tpu.memory_space<semaphore_mem>>) src(%arg2 : memref<128xf32, #tpu.memory_space<hbm>>) dst(%arg6 : memref<128xf32, #tpu.memory_space<vmem>>)
        tpu.yield
      }) : () -> ()
      "tpu.region"() ({
        %run_scoped3A = tpu.sem_alloc : memref<!tpu.dma_semaphore, #tpu.memory_space<semaphore_mem>>
        tpu.enqueue_dma source(%arg3 : memref<128xi32, #tpu.memory_space<hbm>>) target(%arg7 : memref<128xi32, #tpu.memory_space<vmem>>) target_semaphore(%run_scoped3A : memref<!tpu.dma_semaphore, #tpu.memory_space<semaphore_mem>>)
        tpu.wait_dma2 semaphore(%run_scoped3A : memref<!tpu.dma_semaphore, #tpu.memory_space<semaphore_mem>>) src(%arg3 : memref<128xi32, #tpu.memory_space<hbm>>) dst(%arg7 : memref<128xi32, #tpu.memory_space<vmem>>)
        tpu.yield
      }) : () -> ()
      "tpu.region"() ({
        %run_scoped3A = tpu.sem_alloc : memref<!tpu.dma_semaphore, #tpu.memory_space<semaphore_mem>>
        tpu.enqueue_dma source(%arg4 : memref<128xi32, #tpu.memory_space<hbm>>) target(%arg8 : memref<128xi32, #tpu.memory_space<vmem>>) target_semaphore(%run_scoped3A : memref<!tpu.dma_semaphore, #tpu.memory_space<semaphore_mem>>)
        tpu.wait_dma2 semaphore(%run_scoped3A : memref<!tpu.dma_semaphore, #tpu.memory_space<semaphore_mem>>) src(%arg4 : memref<128xi32, #tpu.memory_space<hbm>>) dst(%arg8 : memref<128xi32, #tpu.memory_space<vmem>>)
        tpu.yield
      }) : () -> ()
      %get3A = arith.constant 0 : index
      %get3A_3 = tpu.vector_load %arg7[%get3A] {strides = array<i32>} : memref<128xi32, #tpu.memory_space<vmem>>, vector<16xi32>,
      %gather3A = tpu.vector_load_idx %arg6[%get3A_3] : memref<128xf32, #tpu.memory_space<vmem>>[vector<16xi32>], vector<16xf32>,
      %get3A_4 = arith.constant 0 : index
      %get3A_5 = tpu.vector_load %arg8[%get3A_4] {strides = array<i32>} : memref<128xi32, #tpu.memory_space<vmem>>, vector<16xi32>,
      %gather3A_6 = tpu.vector_load_idx %arg6[%get3A_5] : memref<128xf32, #tpu.memory_space<vmem>>[vector<16xi32>], vector<16xf32>,
      %div3A = arith.divf %gather3A, %gather3A_6 : vector<16xf32>
      %swap3A = arith.constant 0 : index
      %swap3A_7 = tpu.vector_load %arg9[%swap3A] {strides = array<i32>} : memref<128xf32, #tpu.memory_space<vmem>>, vector<16xf32>,
      tpu.vector_store %arg9[%swap3A], %div3A {strides = array<i32>} : memref<128xf32, #tpu.memory_space<vmem>>, vector<16xf32>,
      %get3A_8 = arith.constant 16 : index
      %get3A_9 = tpu.vector_load %arg7[%get3A_8] {strides = array<i32>} : memref<128xi32, #tpu.memory_space<vmem>>, vector<16xi32>,
      %gather3A_10 = tpu.vector_load_idx %arg6[%get3A_9] : memref<128xf32, #tpu.memory_space<vmem>>[vector<16xi32>], vector<16xf32>,
      %get3A_11 = arith.constant 16 : index
      %get3A_12 = tpu.vector_load %arg8[%get3A_11] {strides = array<i32>} : memref<128xi32, #tpu.memory_space<vmem>>, vector<16xi32>,
      %gather3A_13 = tpu.vector_load_idx %arg6[%get3A_12] : memref<128xf32, #tpu.memory_space<vmem>>[vector<16xi32>], vector<16xf32>,
      %div3A_14 = arith.divf %gather3A_10, %gather3A_13 : vector<16xf32>
      %swap3A_15 = arith.constant 16 : index
      %swap3A_16 = tpu.vector_load %arg9[%swap3A_15] {strides = array<i32>} : memref<128xf32, #tpu.memory_space<vmem>>, vector<16xf32>,
      tpu.vector_store %arg9[%swap3A_15], %div3A_14 {strides = array<i32>} : memref<128xf32, #tpu.memory_space<vmem>>, vector<16xf32>,
      %get3A_17 = arith.constant 32 : index
      %get3A_18 = tpu.vector_load %arg7[%get3A_17] {strides = array<i32>} : memref<128xi32, #tpu.memory_space<vmem>>, vector<16xi32>,
      %gather3A_19 = tpu.vector_load_idx %arg6[%get3A_18] : memref<128xf32, #tpu.memory_space<vmem>>[vector<16xi32>], vector<16xf32>,
      %get3A_20 = arith.constant 32 : index
      %get3A_21 = tpu.vector_load %arg8[%get3A_20] {strides = array<i32>} : memref<128xi32, #tpu.memory_space<vmem>>, vector<16xi32>,
      %gather3A_22 = tpu.vector_load_idx %arg6[%get3A_21] : memref<128xf32, #tpu.memory_space<vmem>>[vector<16xi32>], vector<16xf32>,
      %div3A_23 = arith.divf %gather3A_19, %gather3A_22 : vector<16xf32>
      %swap3A_24 = arith.constant 32 : index
      %swap3A_25 = tpu.vector_load %arg9[%swap3A_24] {strides = array<i32>} : memref<128xf32, #tpu.memory_space<vmem>>, vector<16xf32>,
      tpu.vector_store %arg9[%swap3A_24], %div3A_23 {strides = array<i32>} : memref<128xf32, #tpu.memory_space<vmem>>, vector<16xf32>,
      %get3A_26 = arith.constant 48 : index
      %get3A_27 = tpu.vector_load %arg7[%get3A_26] {strides = array<i32>} : memref<128xi32, #tpu.memory_space<vmem>>, vector<16xi32>,
      %gather3A_28 = tpu.vector_load_idx %arg6[%get3A_27] : memref<128xf32, #tpu.memory_space<vmem>>[vector<16xi32>], vector<16xf32>,
      %get3A_29 = arith.constant 48 : index
      %get3A_30 = tpu.vector_load %arg8[%get3A_29] {strides = array<i32>} : memref<128xi32, #tpu.memory_space<vmem>>, vector<16xi32>,
      %gather3A_31 = tpu.vector_load_idx %arg6[%get3A_30] : memref<128xf32, #tpu.memory_space<vmem>>[vector<16xi32>], vector<16xf32>,
      %div3A_32 = arith.divf %gather3A_28, %gather3A_31 : vector<16xf32>
      %swap3A_33 = arith.constant 48 : index
      %swap3A_34 = tpu.vector_load %arg9[%swap3A_33] {strides = array<i32>} : memref<128xf32, #tpu.memory_space<vmem>>, vector<16xf32>,
      tpu.vector_store %arg9[%swap3A_33], %div3A_32 {strides = array<i32>} : memref<128xf32, #tpu.memory_space<vmem>>, vector<16xf32>,
      %get3A_35 = arith.constant 64 : index
      %get3A_36 = tpu.vector_load %arg7[%get3A_35] {strides = array<i32>} : memref<128xi32, #tpu.memory_space<vmem>>, vector<16xi32>,
      %gather3A_37 = tpu.vector_load_idx %arg6[%get3A_36] : memref<128xf32, #tpu.memory_space<vmem>>[vector<16xi32>], vector<16xf32>,
      %get3A_38 = arith.constant 64 : index
      %get3A_39 = tpu.vector_load %arg8[%get3A_38] {strides = array<i32>} : memref<128xi32, #tpu.memory_space<vmem>>, vector<16xi32>,
      %gather3A_40 = tpu.vector_load_idx %arg6[%get3A_39] : memref<128xf32, #tpu.memory_space<vmem>>[vector<16xi32>], vector<16xf32>,
      %div3A_41 = arith.divf %gather3A_37, %gather3A_40 : vector<16xf32>
      %swap3A_42 = arith.constant 64 : index
      %swap3A_43 = tpu.vector_load %arg9[%swap3A_42] {strides = array<i32>} : memref<128xf32, #tpu.memory_space<vmem>>, vector<16xf32>,
      tpu.vector_store %arg9[%swap3A_42], %div3A_41 {strides = array<i32>} : memref<128xf32, #tpu.memory_space<vmem>>, vector<16xf32>,
      %get3A_44 = arith.constant 80 : index
      %get3A_45 = tpu.vector_load %arg7[%get3A_44] {strides = array<i32>} : memref<128xi32, #tpu.memory_space<vmem>>, vector<16xi32>,
      %gather3A_46 = tpu.vector_load_idx %arg6[%get3A_45] : memref<128xf32, #tpu.memory_space<vmem>>[vector<16xi32>], vector<16xf32>,
      %get3A_47 = arith.constant 80 : index
      %get3A_48 = tpu.vector_load %arg8[%get3A_47] {strides = array<i32>} : memref<128xi32, #tpu.memory_space<vmem>>, vector<16xi32>,
      %gather3A_49 = tpu.vector_load_idx %arg6[%get3A_48] : memref<128xf32, #tpu.memory_space<vmem>>[vector<16xi32>], vector<16xf32>,
      %div3A_50 = arith.divf %gather3A_46, %gather3A_49 : vector<16xf32>
      %swap3A_51 = arith.constant 80 : index
      %swap3A_52 = tpu.vector_load %arg9[%swap3A_51] {strides = array<i32>} : memref<128xf32, #tpu.memory_space<vmem>>, vector<16xf32>,
      tpu.vector_store %arg9[%swap3A_51], %div3A_50 {strides = array<i32>} : memref<128xf32, #tpu.memory_space<vmem>>, vector<16xf32>,
      %get3A_53 = arith.constant 96 : index
      %get3A_54 = tpu.vector_load %arg7[%get3A_53] {strides = array<i32>} : memref<128xi32, #tpu.memory_space<vmem>>, vector<16xi32>,
      %gather3A_55 = tpu.vector_load_idx %arg6[%get3A_54] : memref<128xf32, #tpu.memory_space<vmem>>[vector<16xi32>], vector<16xf32>,
      %get3A_56 = arith.constant 96 : index
      %get3A_57 = tpu.vector_load %arg8[%get3A_56] {strides = array<i32>} : memref<128xi32, #tpu.memory_space<vmem>>, vector<16xi32>,
      %gather3A_58 = tpu.vector_load_idx %arg6[%get3A_57] : memref<128xf32, #tpu.memory_space<vmem>>[vector<16xi32>], vector<16xf32>,
      %div3A_59 = arith.divf %gather3A_55, %gather3A_58 : vector<16xf32>
      %swap3A_60 = arith.constant 96 : index
      %swap3A_61 = tpu.vector_load %arg9[%swap3A_60] {strides = array<i32>} : memref<128xf32, #tpu.memory_space<vmem>>, vector<16xf32>,
      tpu.vector_store %arg9[%swap3A_60], %div3A_59 {strides = array<i32>} : memref<128xf32, #tpu.memory_space<vmem>>, vector<16xf32>,
      %get3A_62 = arith.constant 112 : index
      %get3A_63 = tpu.vector_load %arg7[%get3A_62] {strides = array<i32>} : memref<128xi32, #tpu.memory_space<vmem>>, vector<16xi32>,
      %gather3A_64 = tpu.vector_load_idx %arg6[%get3A_63] : memref<128xf32, #tpu.memory_space<vmem>>[vector<16xi32>], vector<16xf32>,
      %get3A_65 = arith.constant 112 : index
      %get3A_66 = tpu.vector_load %arg8[%get3A_65] {strides = array<i32>} : memref<128xi32, #tpu.memory_space<vmem>>, vector<16xi32>,
      %gather3A_67 = tpu.vector_load_idx %arg6[%get3A_66] : memref<128xf32, #tpu.memory_space<vmem>>[vector<16xi32>], vector<16xf32>,
      %div3A_68 = arith.divf %gather3A_64, %gather3A_67 : vector<16xf32>
      %swap3A_69 = arith.constant 112 : index
      %swap3A_70 = tpu.vector_load %arg9[%swap3A_69] {strides = array<i32>} : memref<128xf32, #tpu.memory_space<vmem>>, vector<16xf32>,
      tpu.vector_store %arg9[%swap3A_69], %div3A_68 {strides = array<i32>} : memref<128xf32, #tpu.memory_space<vmem>>, vector<16xf32>,
      "tpu.region"() ({
        %run_scoped3A = tpu.sem_alloc : memref<!tpu.dma_semaphore, #tpu.memory_space<semaphore_mem>>
        tpu.enqueue_dma source(%arg9 : memref<128xf32, #tpu.memory_space<vmem>>) target(%arg5 : memref<128xf32, #tpu.memory_space<hbm>>) target_semaphore(%run_scoped3A : memref<!tpu.dma_semaphore, #tpu.memory_space<semaphore_mem>>)
        tpu.wait_dma2 semaphore(%run_scoped3A : memref<!tpu.dma_semaphore, #tpu.memory_space<semaphore_mem>>) src(%arg9 : memref<128xf32, #tpu.memory_space<vmem>>) dst(%arg5 : memref<128xf32, #tpu.memory_space<hbm>>)
        tpu.yield
      }) : () -> ()
    } else {
    }
    return
  }
}

module attributes {stable_mosaic.version = 14 : i64} {
  func.func @_mean_body(%arg0: i32, %arg1: memref<128xi32, #tpu.memory_space<smem>>, %arg2: memref<1x224x224xf32, #tpu.memory_space<vmem>>, %arg3: memref<1x224x224xf32, #tpu.memory_space<vmem>>, %arg4: memref<1x224x224xf32, #tpu.memory_space<vmem>>, %arg5: memref<1x224x224xf32, #tpu.memory_space<vmem>>, %arg6: memref<1x224x224xf32, #tpu.memory_space<vmem>>, %arg7: memref<1x224x224xf32, #tpu.memory_space<vmem>>, %arg8: memref<1x224x224xf32, #tpu.memory_space<vmem>>, %arg9: memref<1x224x224xf32, #tpu.memory_space<vmem>>, %arg10: memref<1x128xf32, #tpu.memory_space<vmem>>, %arg11: memref<1x128xf32, #tpu.memory_space<vmem>>) attributes {dimension_semantics = [#tpu.dimension_semantics<arbitrary>], iteration_bounds = array<i64: 16>, scalar_prefetch = 1 : i64, scratch_operands = 1 : i64, tpu.core_type = #tpu.core_type<tc>, window_params = [{transform_indices = @transform_0, window_bounds = array<i64: 1, 224, 224>}, {transform_indices = @transform_1, window_bounds = array<i64: 1, 224, 224>}, {transform_indices = @transform_2, window_bounds = array<i64: 1, 224, 224>}, {transform_indices = @transform_3, window_bounds = array<i64: 1, 224, 224>}, {transform_indices = @transform_4, window_bounds = array<i64: 1, 224, 224>}, {transform_indices = @transform_5, window_bounds = array<i64: 1, 224, 224>}, {transform_indices = @transform_6, window_bounds = array<i64: 1, 224, 224>}, {transform_indices = @transform_7, window_bounds = array<i64: 1, 224, 224>}, {pipeline_mode = #tpu.pipeline_mode<synchronous>, transform_indices = @transform_8, window_bounds = array<i64: 1, 128>}]} {
    %iota3A = tpu.iota {dimensions = array<i32: 1>} : vector<1x128xi32>
    %eq3A = arith.constant 0 : i32
    %eq3A_0 = arith.cmpi eq, %arg0, %eq3A : i32
    %convert_element_type3A = arith.extui %eq3A_0 : i1 to i32
    %cond3A = arith.constant 0 : i32
    %cond3A_1 = arith.cmpi ne, %convert_element_type3A, %cond3A : i32
    scf.if %cond3A_1 {
      %broadcast_in_dim3A_142 = arith.constant 0.000000e+00 : f32
      %broadcast_in_dim3A_143 = vector.broadcast %broadcast_in_dim3A_142 : f32 to vector<1x128xf32>
      %swap3A_144 = arith.constant 0 : index
      %swap3A_145 = arith.constant 0 : index
      %swap3A_146 = vector.load %arg11[%swap3A_144, %swap3A_145] : memref<1x128xf32, #tpu.memory_space<vmem>>, vector<1x128xf32>
      tpu.vector_store %arg11[%swap3A_144, %swap3A_145], %broadcast_in_dim3A_143 {strides = array<i32>} : memref<1x128xf32, #tpu.memory_space<vmem>>, vector<1x128xf32>,
    } else {
    }
    %get3A = arith.constant 0 : index
    %get3A_2 = arith.constant 0 : index
    %get3A_3 = vector.load %arg11[%get3A, %get3A_2] : memref<1x128xf32, #tpu.memory_space<vmem>>, vector<1x128xf32>
    %get3A_4 = arith.constant 0 : index
    %get3A_5 = arith.constant 0 : index
    %get3A_6 = arith.constant 0 : index
    %get3A_7 = vector.load %arg2[%get3A_4, %get3A_5, %get3A_6] : memref<1x224x224xf32, #tpu.memory_space<vmem>>, vector<1x224x224xf32>
    %reduce_sum3A = vector.shape_cast %get3A_7 : vector<1x224x224xf32> to vector<1x1x224x224xf32>
    %reduce_sum3A_8 = arith.constant dense<0.000000e+00> : vector<1xf32>
    %reduce_sum3A_9 = vector.multi_reduction <add>, %reduce_sum3A, %reduce_sum3A_8 [1, 2, 3] : vector<1x1x224x224xf32> to vector<1xf32>
    %reduce_sum3A_10 = vector.shape_cast %reduce_sum3A_9 : vector<1xf32> to vector<1x1x1x1xf32>
    %reduce_sum3A_11 = vector.extract %reduce_sum3A_10[0, 0, 0, 0] : f32 from vector<1x1x1x1xf32>
    %mul3A = arith.constant 8 : i32
    %mul3A_12 = arith.muli %arg0, %mul3A : i32
    %add3A = arith.constant 0 : i32
    %add3A_13 = arith.addi %mul3A_12, %add3A : i32
    %eq3A_14 = vector.broadcast %add3A_13 : i32 to vector<1x128xi32>
    %eq3A_15 = arith.cmpi eq, %iota3A, %eq3A_14 : vector<1x128xi32>
    %broadcast_in_dim3A = vector.broadcast %reduce_sum3A_11 : f32 to vector<1x128xf32>
    %select_n3A = arith.select %eq3A_15, %broadcast_in_dim3A, %get3A_3 : vector<1x128xi1>, vector<1x128xf32>
    %get3A_16 = arith.constant 0 : index
    %get3A_17 = arith.constant 0 : index
    %get3A_18 = arith.constant 0 : index
    %get3A_19 = vector.load %arg3[%get3A_16, %get3A_17, %get3A_18] : memref<1x224x224xf32, #tpu.memory_space<vmem>>, vector<1x224x224xf32>
    %reduce_sum3A_20 = vector.shape_cast %get3A_19 : vector<1x224x224xf32> to vector<1x1x224x224xf32>
    %reduce_sum3A_21 = arith.constant dense<0.000000e+00> : vector<1xf32>
    %reduce_sum3A_22 = vector.multi_reduction <add>, %reduce_sum3A_20, %reduce_sum3A_21 [1, 2, 3] : vector<1x1x224x224xf32> to vector<1xf32>
    %reduce_sum3A_23 = vector.shape_cast %reduce_sum3A_22 : vector<1xf32> to vector<1x1x1x1xf32>
    %reduce_sum3A_24 = vector.extract %reduce_sum3A_23[0, 0, 0, 0] : f32 from vector<1x1x1x1xf32>
    %mul3A_25 = arith.constant 8 : i32
    %mul3A_26 = arith.muli %arg0, %mul3A_25 : i32
    %add3A_27 = arith.constant 1 : i32
    %add3A_28 = arith.addi %mul3A_26, %add3A_27 : i32
    %eq3A_29 = vector.broadcast %add3A_28 : i32 to vector<1x128xi32>
    %eq3A_30 = arith.cmpi eq, %iota3A, %eq3A_29 : vector<1x128xi32>
    %broadcast_in_dim3A_31 = vector.broadcast %reduce_sum3A_24 : f32 to vector<1x128xf32>
    %select_n3A_32 = arith.select %eq3A_30, %broadcast_in_dim3A_31, %select_n3A : vector<1x128xi1>, vector<1x128xf32>
    %get3A_33 = arith.constant 0 : index
    %get3A_34 = arith.constant 0 : index
    %get3A_35 = arith.constant 0 : index
    %get3A_36 = vector.load %arg4[%get3A_33, %get3A_34, %get3A_35] : memref<1x224x224xf32, #tpu.memory_space<vmem>>, vector<1x224x224xf32>
    %reduce_sum3A_37 = vector.shape_cast %get3A_36 : vector<1x224x224xf32> to vector<1x1x224x224xf32>
    %reduce_sum3A_38 = arith.constant dense<0.000000e+00> : vector<1xf32>
    %reduce_sum3A_39 = vector.multi_reduction <add>, %reduce_sum3A_37, %reduce_sum3A_38 [1, 2, 3] : vector<1x1x224x224xf32> to vector<1xf32>
    %reduce_sum3A_40 = vector.shape_cast %reduce_sum3A_39 : vector<1xf32> to vector<1x1x1x1xf32>
    %reduce_sum3A_41 = vector.extract %reduce_sum3A_40[0, 0, 0, 0] : f32 from vector<1x1x1x1xf32>
    %mul3A_42 = arith.constant 8 : i32
    %mul3A_43 = arith.muli %arg0, %mul3A_42 : i32
    %add3A_44 = arith.constant 2 : i32
    %add3A_45 = arith.addi %mul3A_43, %add3A_44 : i32
    %eq3A_46 = vector.broadcast %add3A_45 : i32 to vector<1x128xi32>
    %eq3A_47 = arith.cmpi eq, %iota3A, %eq3A_46 : vector<1x128xi32>
    %broadcast_in_dim3A_48 = vector.broadcast %reduce_sum3A_41 : f32 to vector<1x128xf32>
    %select_n3A_49 = arith.select %eq3A_47, %broadcast_in_dim3A_48, %select_n3A_32 : vector<1x128xi1>, vector<1x128xf32>
    %get3A_50 = arith.constant 0 : index
    %get3A_51 = arith.constant 0 : index
    %get3A_52 = arith.constant 0 : index
    %get3A_53 = vector.load %arg5[%get3A_50, %get3A_51, %get3A_52] : memref<1x224x224xf32, #tpu.memory_space<vmem>>, vector<1x224x224xf32>
    %reduce_sum3A_54 = vector.shape_cast %get3A_53 : vector<1x224x224xf32> to vector<1x1x224x224xf32>
    %reduce_sum3A_55 = arith.constant dense<0.000000e+00> : vector<1xf32>
    %reduce_sum3A_56 = vector.multi_reduction <add>, %reduce_sum3A_54, %reduce_sum3A_55 [1, 2, 3] : vector<1x1x224x224xf32> to vector<1xf32>
    %reduce_sum3A_57 = vector.shape_cast %reduce_sum3A_56 : vector<1xf32> to vector<1x1x1x1xf32>
    %reduce_sum3A_58 = vector.extract %reduce_sum3A_57[0, 0, 0, 0] : f32 from vector<1x1x1x1xf32>
    %mul3A_59 = arith.constant 8 : i32
    %mul3A_60 = arith.muli %arg0, %mul3A_59 : i32
    %add3A_61 = arith.constant 3 : i32
    %add3A_62 = arith.addi %mul3A_60, %add3A_61 : i32
    %eq3A_63 = vector.broadcast %add3A_62 : i32 to vector<1x128xi32>
    %eq3A_64 = arith.cmpi eq, %iota3A, %eq3A_63 : vector<1x128xi32>
    %broadcast_in_dim3A_65 = vector.broadcast %reduce_sum3A_58 : f32 to vector<1x128xf32>
    %select_n3A_66 = arith.select %eq3A_64, %broadcast_in_dim3A_65, %select_n3A_49 : vector<1x128xi1>, vector<1x128xf32>
    %get3A_67 = arith.constant 0 : index
    %get3A_68 = arith.constant 0 : index
    %get3A_69 = arith.constant 0 : index
    %get3A_70 = vector.load %arg6[%get3A_67, %get3A_68, %get3A_69] : memref<1x224x224xf32, #tpu.memory_space<vmem>>, vector<1x224x224xf32>
    %reduce_sum3A_71 = vector.shape_cast %get3A_70 : vector<1x224x224xf32> to vector<1x1x224x224xf32>
    %reduce_sum3A_72 = arith.constant dense<0.000000e+00> : vector<1xf32>
    %reduce_sum3A_73 = vector.multi_reduction <add>, %reduce_sum3A_71, %reduce_sum3A_72 [1, 2, 3] : vector<1x1x224x224xf32> to vector<1xf32>
    %reduce_sum3A_74 = vector.shape_cast %reduce_sum3A_73 : vector<1xf32> to vector<1x1x1x1xf32>
    %reduce_sum3A_75 = vector.extract %reduce_sum3A_74[0, 0, 0, 0] : f32 from vector<1x1x1x1xf32>
    %mul3A_76 = arith.constant 8 : i32
    %mul3A_77 = arith.muli %arg0, %mul3A_76 : i32
    %add3A_78 = arith.constant 4 : i32
    %add3A_79 = arith.addi %mul3A_77, %add3A_78 : i32
    %eq3A_80 = vector.broadcast %add3A_79 : i32 to vector<1x128xi32>
    %eq3A_81 = arith.cmpi eq, %iota3A, %eq3A_80 : vector<1x128xi32>
    %broadcast_in_dim3A_82 = vector.broadcast %reduce_sum3A_75 : f32 to vector<1x128xf32>
    %select_n3A_83 = arith.select %eq3A_81, %broadcast_in_dim3A_82, %select_n3A_66 : vector<1x128xi1>, vector<1x128xf32>
    %get3A_84 = arith.constant 0 : index
    %get3A_85 = arith.constant 0 : index
    %get3A_86 = arith.constant 0 : index
    %get3A_87 = vector.load %arg7[%get3A_84, %get3A_85, %get3A_86] : memref<1x224x224xf32, #tpu.memory_space<vmem>>, vector<1x224x224xf32>
    %reduce_sum3A_88 = vector.shape_cast %get3A_87 : vector<1x224x224xf32> to vector<1x1x224x224xf32>
    %reduce_sum3A_89 = arith.constant dense<0.000000e+00> : vector<1xf32>
    %reduce_sum3A_90 = vector.multi_reduction <add>, %reduce_sum3A_88, %reduce_sum3A_89 [1, 2, 3] : vector<1x1x224x224xf32> to vector<1xf32>
    %reduce_sum3A_91 = vector.shape_cast %reduce_sum3A_90 : vector<1xf32> to vector<1x1x1x1xf32>
    %reduce_sum3A_92 = vector.extract %reduce_sum3A_91[0, 0, 0, 0] : f32 from vector<1x1x1x1xf32>
    %mul3A_93 = arith.constant 8 : i32
    %mul3A_94 = arith.muli %arg0, %mul3A_93 : i32
    %add3A_95 = arith.constant 5 : i32
    %add3A_96 = arith.addi %mul3A_94, %add3A_95 : i32
    %eq3A_97 = vector.broadcast %add3A_96 : i32 to vector<1x128xi32>
    %eq3A_98 = arith.cmpi eq, %iota3A, %eq3A_97 : vector<1x128xi32>
    %broadcast_in_dim3A_99 = vector.broadcast %reduce_sum3A_92 : f32 to vector<1x128xf32>
    %select_n3A_100 = arith.select %eq3A_98, %broadcast_in_dim3A_99, %select_n3A_83 : vector<1x128xi1>, vector<1x128xf32>
    %get3A_101 = arith.constant 0 : index
    %get3A_102 = arith.constant 0 : index
    %get3A_103 = arith.constant 0 : index
    %get3A_104 = vector.load %arg8[%get3A_101, %get3A_102, %get3A_103] : memref<1x224x224xf32, #tpu.memory_space<vmem>>, vector<1x224x224xf32>
    %reduce_sum3A_105 = vector.shape_cast %get3A_104 : vector<1x224x224xf32> to vector<1x1x224x224xf32>
    %reduce_sum3A_106 = arith.constant dense<0.000000e+00> : vector<1xf32>
    %reduce_sum3A_107 = vector.multi_reduction <add>, %reduce_sum3A_105, %reduce_sum3A_106 [1, 2, 3] : vector<1x1x224x224xf32> to vector<1xf32>
    %reduce_sum3A_108 = vector.shape_cast %reduce_sum3A_107 : vector<1xf32> to vector<1x1x1x1xf32>
    %reduce_sum3A_109 = vector.extract %reduce_sum3A_108[0, 0, 0, 0] : f32 from vector<1x1x1x1xf32>
    %mul3A_110 = arith.constant 8 : i32
    %mul3A_111 = arith.muli %arg0, %mul3A_110 : i32
    %add3A_112 = arith.constant 6 : i32
    %add3A_113 = arith.addi %mul3A_111, %add3A_112 : i32
    %eq3A_114 = vector.broadcast %add3A_113 : i32 to vector<1x128xi32>
    %eq3A_115 = arith.cmpi eq, %iota3A, %eq3A_114 : vector<1x128xi32>
    %broadcast_in_dim3A_116 = vector.broadcast %reduce_sum3A_109 : f32 to vector<1x128xf32>
    %select_n3A_117 = arith.select %eq3A_115, %broadcast_in_dim3A_116, %select_n3A_100 : vector<1x128xi1>, vector<1x128xf32>
    %get3A_118 = arith.constant 0 : index
    %get3A_119 = arith.constant 0 : index
    %get3A_120 = arith.constant 0 : index
    %get3A_121 = vector.load %arg9[%get3A_118, %get3A_119, %get3A_120] : memref<1x224x224xf32, #tpu.memory_space<vmem>>, vector<1x224x224xf32>
    %reduce_sum3A_122 = vector.shape_cast %get3A_121 : vector<1x224x224xf32> to vector<1x1x224x224xf32>
    %reduce_sum3A_123 = arith.constant dense<0.000000e+00> : vector<1xf32>
    %reduce_sum3A_124 = vector.multi_reduction <add>, %reduce_sum3A_122, %reduce_sum3A_123 [1, 2, 3] : vector<1x1x224x224xf32> to vector<1xf32>
    %reduce_sum3A_125 = vector.shape_cast %reduce_sum3A_124 : vector<1xf32> to vector<1x1x1x1xf32>
    %reduce_sum3A_126 = vector.extract %reduce_sum3A_125[0, 0, 0, 0] : f32 from vector<1x1x1x1xf32>
    %mul3A_127 = arith.constant 8 : i32
    %mul3A_128 = arith.muli %arg0, %mul3A_127 : i32
    %add3A_129 = arith.constant 7 : i32
    %add3A_130 = arith.addi %mul3A_128, %add3A_129 : i32
    %eq3A_131 = vector.broadcast %add3A_130 : i32 to vector<1x128xi32>
    %eq3A_132 = arith.cmpi eq, %iota3A, %eq3A_131 : vector<1x128xi32>
    %broadcast_in_dim3A_133 = vector.broadcast %reduce_sum3A_126 : f32 to vector<1x128xf32>
    %select_n3A_134 = arith.select %eq3A_132, %broadcast_in_dim3A_133, %select_n3A_117 : vector<1x128xi1>, vector<1x128xf32>
    %swap3A = arith.constant 0 : index
    %swap3A_135 = arith.constant 0 : index
    %swap3A_136 = vector.load %arg11[%swap3A, %swap3A_135] : memref<1x128xf32, #tpu.memory_space<vmem>>, vector<1x128xf32>
    tpu.vector_store %arg11[%swap3A, %swap3A_135], %select_n3A_134 {strides = array<i32>} : memref<1x128xf32, #tpu.memory_space<vmem>>, vector<1x128xf32>,
    %eq3A_137 = arith.constant 15 : i32
    %eq3A_138 = arith.cmpi eq, %arg0, %eq3A_137 : i32
    %convert_element_type3A_139 = arith.extui %eq3A_138 : i1 to i32
    %cond3A_140 = arith.constant 0 : i32
    %cond3A_141 = arith.cmpi ne, %convert_element_type3A_139, %cond3A_140 : i32
    scf.if %cond3A_141 {
      %get3A_142 = arith.constant 0 : index
      %get3A_143 = arith.constant 0 : index
      %get3A_144 = vector.load %arg11[%get3A_142, %get3A_143] : memref<1x128xf32, #tpu.memory_space<vmem>>, vector<1x128xf32>
      %mul3A_145 = arith.constant 1.99298465E-5 : f32
      %mul3A_146 = vector.broadcast %mul3A_145 : f32 to vector<1x128xf32>
      %mul3A_147 = arith.mulf %get3A_144, %mul3A_146 : vector<1x128xf32>
      %swap3A_148 = arith.constant 0 : index
      %swap3A_149 = arith.constant 0 : index
      %swap3A_150 = vector.load %arg10[%swap3A_148, %swap3A_149] : memref<1x128xf32, #tpu.memory_space<vmem>>, vector<1x128xf32>
      tpu.vector_store %arg10[%swap3A_148, %swap3A_149], %mul3A_147 {strides = array<i32>} : memref<1x128xf32, #tpu.memory_space<vmem>>, vector<1x128xf32>,
    } else {
    }
    return
  }
  func.func @transform_0(%arg0: i32, %arg1: memref<128xi32, #tpu.memory_space<smem>>) -> (i32, i32, i32) {
    %mul3A = arith.constant 8 : i32
    %mul3A_0 = arith.muli %arg0, %mul3A : i32
    %add3A = arith.constant 0 : i32
    %add3A_1 = arith.addi %mul3A_0, %add3A : i32
    %get3A = arith.index_cast %add3A_1 : i32 to index
    %get3A_2 = memref.load %arg1[%get3A] : memref<128xi32, #tpu.memory_space<smem>>
    %c0_i32 = arith.constant 0 : i32
    %c0_i32_3 = arith.constant 0 : i32
    %c0_i32_4 = arith.constant 0 : i32
    return %get3A_2, %c0_i32, %c0_i32_3 : i32, i32, i32
  }
  func.func @transform_1(%arg0: i32, %arg1: memref<128xi32, #tpu.memory_space<smem>>) -> (i32, i32, i32) {
    %mul3A = arith.constant 8 : i32
    %mul3A_0 = arith.muli %arg0, %mul3A : i32
    %add3A = arith.constant 1 : i32
    %add3A_1 = arith.addi %mul3A_0, %add3A : i32
    %get3A = arith.index_cast %add3A_1 : i32 to index
    %get3A_2 = memref.load %arg1[%get3A] : memref<128xi32, #tpu.memory_space<smem>>
    %c0_i32 = arith.constant 0 : i32
    %c0_i32_3 = arith.constant 0 : i32
    %c0_i32_4 = arith.constant 0 : i32
    return %get3A_2, %c0_i32, %c0_i32_3 : i32, i32, i32
  }
  func.func @transform_2(%arg0: i32, %arg1: memref<128xi32, #tpu.memory_space<smem>>) -> (i32, i32, i32) {
    %mul3A = arith.constant 8 : i32
    %mul3A_0 = arith.muli %arg0, %mul3A : i32
    %add3A = arith.constant 2 : i32
    %add3A_1 = arith.addi %mul3A_0, %add3A : i32
    %get3A = arith.index_cast %add3A_1 : i32 to index
    %get3A_2 = memref.load %arg1[%get3A] : memref<128xi32, #tpu.memory_space<smem>>
    %c0_i32 = arith.constant 0 : i32
    %c0_i32_3 = arith.constant 0 : i32
    %c0_i32_4 = arith.constant 0 : i32
    return %get3A_2, %c0_i32, %c0_i32_3 : i32, i32, i32
  }
  func.func @transform_3(%arg0: i32, %arg1: memref<128xi32, #tpu.memory_space<smem>>) -> (i32, i32, i32) {
    %mul3A = arith.constant 8 : i32
    %mul3A_0 = arith.muli %arg0, %mul3A : i32
    %add3A = arith.constant 3 : i32
    %add3A_1 = arith.addi %mul3A_0, %add3A : i32
    %get3A = arith.index_cast %add3A_1 : i32 to index
    %get3A_2 = memref.load %arg1[%get3A] : memref<128xi32, #tpu.memory_space<smem>>
    %c0_i32 = arith.constant 0 : i32
    %c0_i32_3 = arith.constant 0 : i32
    %c0_i32_4 = arith.constant 0 : i32
    return %get3A_2, %c0_i32, %c0_i32_3 : i32, i32, i32
  }
  func.func @transform_4(%arg0: i32, %arg1: memref<128xi32, #tpu.memory_space<smem>>) -> (i32, i32, i32) {
    %mul3A = arith.constant 8 : i32
    %mul3A_0 = arith.muli %arg0, %mul3A : i32
    %add3A = arith.constant 4 : i32
    %add3A_1 = arith.addi %mul3A_0, %add3A : i32
    %get3A = arith.index_cast %add3A_1 : i32 to index
    %get3A_2 = memref.load %arg1[%get3A] : memref<128xi32, #tpu.memory_space<smem>>
    %c0_i32 = arith.constant 0 : i32
    %c0_i32_3 = arith.constant 0 : i32
    %c0_i32_4 = arith.constant 0 : i32
    return %get3A_2, %c0_i32, %c0_i32_3 : i32, i32, i32
  }
  func.func @transform_5(%arg0: i32, %arg1: memref<128xi32, #tpu.memory_space<smem>>) -> (i32, i32, i32) {
    %mul3A = arith.constant 8 : i32
    %mul3A_0 = arith.muli %arg0, %mul3A : i32
    %add3A = arith.constant 5 : i32
    %add3A_1 = arith.addi %mul3A_0, %add3A : i32
    %get3A = arith.index_cast %add3A_1 : i32 to index
    %get3A_2 = memref.load %arg1[%get3A] : memref<128xi32, #tpu.memory_space<smem>>
    %c0_i32 = arith.constant 0 : i32
    %c0_i32_3 = arith.constant 0 : i32
    %c0_i32_4 = arith.constant 0 : i32
    return %get3A_2, %c0_i32, %c0_i32_3 : i32, i32, i32
  }
  func.func @transform_6(%arg0: i32, %arg1: memref<128xi32, #tpu.memory_space<smem>>) -> (i32, i32, i32) {
    %mul3A = arith.constant 8 : i32
    %mul3A_0 = arith.muli %arg0, %mul3A : i32
    %add3A = arith.constant 6 : i32
    %add3A_1 = arith.addi %mul3A_0, %add3A : i32
    %get3A = arith.index_cast %add3A_1 : i32 to index
    %get3A_2 = memref.load %arg1[%get3A] : memref<128xi32, #tpu.memory_space<smem>>
    %c0_i32 = arith.constant 0 : i32
    %c0_i32_3 = arith.constant 0 : i32
    %c0_i32_4 = arith.constant 0 : i32
    return %get3A_2, %c0_i32, %c0_i32_3 : i32, i32, i32
  }
  func.func @transform_7(%arg0: i32, %arg1: memref<128xi32, #tpu.memory_space<smem>>) -> (i32, i32, i32) {
    %mul3A = arith.constant 8 : i32
    %mul3A_0 = arith.muli %arg0, %mul3A : i32
    %add3A = arith.constant 7 : i32
    %add3A_1 = arith.addi %mul3A_0, %add3A : i32
    %get3A = arith.index_cast %add3A_1 : i32 to index
    %get3A_2 = memref.load %arg1[%get3A] : memref<128xi32, #tpu.memory_space<smem>>
    %c0_i32 = arith.constant 0 : i32
    %c0_i32_3 = arith.constant 0 : i32
    %c0_i32_4 = arith.constant 0 : i32
    return %get3A_2, %c0_i32, %c0_i32_3 : i32, i32, i32
  }
  func.func @transform_8(%arg0: i32, %arg1: memref<128xi32, #tpu.memory_space<smem>>) -> (i32, i32) {
    %c0_i32 = arith.constant 0 : i32
    %c0_i32_0 = arith.constant 0 : i32
    %c0_i32_1 = arith.constant 0 : i32
    return %c0_i32, %c0_i32_0 : i32, i32
  }
}

</mosaic_0001>

<sc_bundles>
// kernel: kernel.4.cloned.1.call-start
scs
__scs_entry_jumppad:
0x0: {  	(pc) =	sbr.rel $0x88, $3  }
0x1: {  	(tag) =	ssettag $0x0;
	lr =	simm.s32 $0x1  }
0x2: {  	[smem:$0x3FA0] =	sst lr;
	_ =	strace $0xD0000000  }
0x3: {  	_ = 	snop  }
0x4: {  	_ = 	snop  }
0x5: {  	_ = 	snop  }
0x6: {  	_ = 	snop  }
0x7: {  	_ = 	snop  }
__scs_overlays_trampoline_lowered:
0x8: {  	[smem:$0x3FAF] =	sst s0  }
0x9: {  	[smem:$0x3FB0] =	sst s1  }
0xa: {  	[smem:$0x3FB1] =	sst s2  }
0xb: {  	[smem:$0x3FB2] =	sst s3  }
0xc: {  	[smem:$0x3FB3] =	sst s4  }
0xd: {  	[smem:$0x3FB4] =	sst s5  }
0xe: {  	[smem:$0x3FB5] =	sst s6  }
0xf: {  	[smem:$0x3FB6] =	sst s7  }
0x10: {  	[smem:$0x3FB7] =	sst s8  }
0x11: {  	[smem:$0x3FB8] =	sst s9;
	s0 =	simm.s32 @!p0 $0x0  }
0x12: {  	s1 =	sld [smem:$0x3F9E];
	s0 =	simm.s32 @p0 $0x1  }
0x13: {  	[smem:$0x3FB9] =	sst s0;
	s0 =	simm.s32 @!p1 $0x0  }
0x14: {  	s2 =	sld [smem:$0x3F9D];
	s0 =	simm.s32 @p1 $0x1  }
0x15: {  	[smem:$0x3FBA] =	sst s0;
	s0 =	simm.s32 @!p2 $0x0  }
0x16: {  	s3 =	sld [smem:$0x3FDB];
	s0 =	simm.s32 @p2 $0x1  }
0x17: {  	s4 =	simm.s32 $0x1BF5;
	[smem:$0x3FBC] =	sst s0  }
0x18: {  	s0 =	sld [smem:$0x3F9F];
	_ =	swait.ge [sflag:s4], $0x0  }
0x19: {  	s7 =	sld [smem:$0x3FA0]  }
0x1a: {  	s8 =	sadd.s32 $0xFFFFE003, lr  }
0x1b: {  	s9 =	sadd.s32 $0xFFFFFEF7, lr;
	s5 =	simm.s32 $0xFFFFFFFF;
	p2 =	slt.u32 s8, $0xFFFFF086  }
0x1c: {  	p1 =	slt.u32 s9, $0xF7A;
	s5 =	simm.s32 @!p2 $0x0  }
0x1d: {  	s5 =	simm.s32 @p1 $0x1;
	p0 =	seq.s32 s7, s2  }
0x1e: {  	s7 =	smul.u32 @!p0 $0xF7A, s2;
	p2 =	seq.s32 @!p0 s5, $0x0  }
0x1f: {  	s9 =	smul.u32 $0xF7A, s1;
	s8 =	simm.s32 @!p0 $0x1BF5;
	p2 =	por !p2, p0  }
0x20: {  	[sflag:s8] =	ssyncset.s32 @!p0 $0xFFFFF086;
	s6 =	sadd.s32 @!p0 s3, s7;
	s7 =	simm.s32 @!p0 $0x108  }
0x21: {  	s3 =	sadd.s32 s3, s9;
	s6 =	sadd.s32 @!p0 $0x88, s6;
	s7 =	simm.s32 @p2 $0x1082  }
0x22: {  	[simem:s7], [sflag:s8] =	dma.local @!p0 [hbm:s6], $0xF7A  }
0x23: {  	s9 =	sor.u32 $0xD0000000, s2;
	s6 =	simm.s32 $0x108;
	_ =	swait.ge @!p0 [sflag:s8], $0x0  }
0x24: {  	s3 =	sadd.s32 $0x88, s3;
	s6 =	simm.s32 @!p1 $0x1082;
	[sflag:s4] =	ssyncset.s32 $0xFFFFF086  }
0x25: {  	[simem:s6], [sflag:s4] =	dma.local [hbm:s3], $0xF7A  }
0x26: {  	[smem:$0x3FA0] =	sst s1;
	(tag) =	ssettag s2;
	_ =	strace s9  }
0x27: {  	s1 =	sld [smem:$0x3FB0]  }
0x28: {  	s2 =	sld [smem:$0x3FB1]  }
0x29: {  	s4 =	sld [smem:$0x3FB3]  }
0x2a: {  	p0 =	seq.s32 s5, $0x0;
	s5 =	sld [smem:$0x3FB4]  }
0x2b: {  	s6 =	sld [smem:$0x3FB5]  }
0x2c: {  	s7 =	sld [smem:$0x3FB6]  }
0x2d: {  	s3 =	simm.s32 $0x108;
	s8 =	sld [smem:$0x3FB7]  }
0x2e: {  	s3 =	simm.s32 @!p0 $0x1082;
	s9 =	sld [smem:$0x3FB8]  }
0x2f: {  	lr =	sadd.s32 s0, s3;
	s0 =	sld [smem:$0x3FAF]  }
0x30: {  	s3 =	sld [smem:$0x3FB2]  }
0x31: {  	[smem:$0x3FBB] =	sst s10  }
0x32: {  	s10 =	sld [smem:$0x3FB9];
	_ =	sdelay $0x3  }
0x33: {  	p0 =	seq.s32 s10, $0x1;
	s10 =	sld [smem:$0x3FBB];
	_ =	sdelay $0x3  }
0x34: {  	[smem:$0x3FBB] =	sst s10  }
0x35: {  	s10 =	sld [smem:$0x3FBA];
	_ =	sdelay $0x3  }
0x36: {  	p1 =	seq.s32 s10, $0x1;
	s10 =	sld [smem:$0x3FBB];
	_ =	sdelay $0x3  }
0x37: {  	[smem:$0x3FBB] =	sst s10  }
0x38: {  	s10 =	sld [smem:$0x3FBC]  }
0x39: {  	_ = 	snop;
	(pc) =	sbr.ind lr, $3  }
0x3a: {  	_ = 	snop  }
0x3b: {  	_ = 	snop  }
0x3c: {  	p2 =	seq.s32 s10, $0x1;
	s10 =	sld [smem:$0x3FBB]  }
0x3d: {  	_ =	shalt  }
0x3e: {  	_ =	shalt  }
0x3f: {  	_ =	shalt  }
0x40: {  	_ =	shalt  }
0x41: {  	_ =	shalt  }
0x42: {  	_ =	shalt  }
0x43: {  	_ =	shalt  }
0x44: {  	_ =	shalt  }
0x45: {  	_ =	shalt  }
0x46: {  	_ =	shalt  }
0x47: {  	_ =	shalt  }
0x48: {  	_ =	shalt  }
0x49: {  	_ =	shalt  }
0x4a: {  	_ =	shalt  }
0x4b: {  	_ =	shalt  }
0x4c: {  	_ =	shalt  }
0x4d: {  	_ =	shalt  }
0x4e: {  	_ =	shalt  }
0x4f: {  	_ =	shalt  }
0x50: {  	_ =	shalt  }
0x51: {  	_ =	shalt  }
0x52: {  	_ =	shalt  }
0x53: {  	_ =	shalt  }
0x54: {  	_ =	shalt  }
0x55: {  	_ =	shalt  }
0x56: {  	_ =	shalt  }
0x57: {  	_ =	shalt  }
0x58: {  	_ =	shalt  }
0x59: {  	_ =	shalt  }
0x5a: {  	_ =	shalt  }
0x5b: {  	_ =	shalt  }
0x5c: {  	_ =	shalt  }
0x5d: {  	_ =	shalt  }
0x5e: {  	_ =	shalt  }
0x5f: {  	_ =	shalt  }
0x60: {  	_ =	shalt  }
0x61: {  	_ =	shalt  }
0x62: {  	_ =	shalt  }
0x63: {  	_ =	shalt  }
0x64: {  	_ =	shalt  }
0x65: {  	_ =	shalt  }
0x66: {  	_ =	shalt  }
0x67: {  	_ =	shalt  }
0x68: {  	_ =	shalt  }
0x69: {  	_ =	shalt  }
0x6a: {  	_ =	shalt  }
0x6b: {  	_ =	shalt  }
0x6c: {  	_ =	shalt  }
0x6d: {  	_ =	shalt  }
0x6e: {  	_ =	shalt  }
0x6f: {  	_ =	shalt  }
0x70: {  	_ =	shalt  }
0x71: {  	_ =	shalt  }
0x72: {  	_ =	shalt  }
0x73: {  	_ =	shalt  }
0x74: {  	_ =	shalt  }
0x75: {  	_ =	shalt  }
0x76: {  	_ =	shalt  }
0x77: {  	_ =	shalt  }
0x78: {  	_ =	shalt  }
0x79: {  	_ =	shalt  }
0x7a: {  	_ =	shalt  }
0x7b: {  	_ =	shalt  }
0x7c: {  	_ =	shalt  }
0x7d: {  	_ =	shalt  }
0x7e: {  	_ =	shalt  }
0x7f: {  	_ =	shalt  }
0x80: {  	_ =	shalt  }
0x81: {  	_ =	shalt  }
0x82: {  	_ =	shalt  }
0x83: {  	_ =	shalt  }
0x84: {  	_ =	shalt  }
0x85: {  	_ =	shalt  }
0x86: {  	_ =	shalt  }
0x87: {  	_ =	shalt  }
.Lfunc_end0:
.L_simem_size_0:
called_computation_lowered:
.L_overlay_start_0:
0x88: {  	s2 =	sld [smem:$0x3FD9]  }
0x89: {  	s3 =	sld [smem:$0x3FFE];
	_ =	sdelay $0x1  }
0x8a: {  	s1 =	srdreg.scid  }
0x8b: {  	s0 =	sand.u32 $0x1, s1  }
0x8c: {  	s14 =	sshll.u32 s0, $0xA;
	s2 =	sadd.s32 s3, s2  }
0x8d: {  	s2 =	sadd.s32 s2, s14  }
0x8e: {  	[smem:$0x3FC7] =	sst s2  }
0x8f: {  	_ = 	snop  }
0x90: {  	s2 =	sld [smem:$0x3FD0];
	_ =	sdelay $0x2  }
0x91: {  	s15 =	simm.s32 $0xA;
	s4 =	simm.s32 $0x10  }
0x92: {  	[smem:s4], [sflag:s15] =	dma.local [hbm:s2], $0x1  }
0x93: {  	_ =	swait.eq [sflag:s15], $0x1  }
0x94: {  	s16 =	sld [smem:$0x10];
	[sflag:s15] =	ssyncset.done $0x0  }
0x95: {  	s17 =	sld [smem:$0x11];
	[sflag:s15] =	ssyncadd.s32 $0xFFFFFFFF  }
0x96: {  	s18 =	sld [smem:$0x12];
	(tm) =	ssettm $0x1  }
0x97: {  	s5 =	sld [smem:$0x3FFB];
	_ =	sdelay $0x3  }
0x98: {  	_ =	strace s5  }
0x99: {  	s5 =	sld [smem:$0x3FFC];
	_ =	sdelay $0x3  }
0x9a: {  	_ =	strace s5  }
0x9b: {  	s5 =	sld [smem:$0x3FFD];
	_ =	sdelay $0x3  }
0x9c: {  	_ =	strace s5  }
0x9d: {  	_ =	strace $0x8FFFFFFF  }
0x9e: {  	s19 =	sld [smem:$0x3FDB];
	_ =	sdelay $0x1  }
0x9f: {  	s6 =	simm.s32 $_scs_section_size  }
0xa0: {  	s7 =	simm.s32 $_size__tile_overlayer_lowered;
	s8 =	simm.s32 $_tile_overlayer_lowered  }
0xa1: {  	s22 =	simm.s32 $0x1BFF;
	s21 =	sshll.u32 s8, $0x1;
	s5 =	sadd.s32 s6, s19  }
0xa2: {  	s9 =	simm.s32 $0x0;
	s20 =	sshll.u32 s7, $0x1;
	s7 =	sadd.s32 s21, s5  }
0xa3: {  	[timem:s9], [sflag:s22] =	dma.local [hbm:s7], s20  }
0xa4: {  	_ =	swait.ge [sflag:s22], s20  }
0xa5: {  	s6 =	ssub.s32 $0x0, s20;
	[sflag:s22] =	ssyncset.done $0x0  }
0xa6: {  	[sflag:s22] =	ssyncadd.s32 s6;
	_ =	sdelay $0x1  }
0xa7: {  	s23 =	simm.s32 $0x1B8B  }
0xa8: {  	_ =	swait.ge [sflag:s23], $0x1  }
0xa9: {  	[sflag:s23] =	ssyncset.done $0x0  }
0xaa: {  	s25 =	simm.s32 $0x1B8E;
	s24 =	sld [smem:$0x3FFE];
	[sflag:s23] =	ssyncadd.s32 $0xFFFFFFFF  }
0xab: {  	s26 =	simm.s32 $execute0_lowered;
	[smem:$0x3FD2] =	sst s25  }
0xac: {  	s7 =	sshll.u32 s26, $0x1;
	_ =	strace $0x80000046;
	[dreg:$0x1] =	wrdreg $0xFFFFFFFF  }
0xad: {  	s28 =	simm.s32 $_size_execute0_lowered;
	s5 =	sadd.s32 s5, s7;
	[dreg:$0x0] =	wrdreg $0x0  }
0xae: {  	s7 =	sshll.u32 s28, $0x1;
	[dreg:$0x2] =	wrdreg s5  }
0xaf: {  	[dreg:$0x3] =	wrdreg s7  }
0xb0: {  	[dreg:$0x4] =	wrdreg $0xC0  }
0xb1: {  	_ =	task [dreg:s9], $0x5FFFF  }
0xb2: {  	[dreg:$0x1] =	wrdreg $0xFFFFFFFF  }
0xb3: {  	[dreg:$0x0] =	wrdreg $0x60  }
0xb4: {  	[dreg:$0x2] =	wrdreg s18  }
0xb5: {  	[dreg:$0x3] =	wrdreg s16  }
0xb6: {  	[dreg:$0x4] =	wrdreg s17  }
0xb7: {  	[dreg:$0x5] =	wrdreg s24  }
0xb8: {  	[dreg:$0x6] =	wrdreg $0x9  }
0xb9: {  	_ =	task.clear_ibuf [dreg:s9], $0x7FFFF;
	_ =	strace $0x90000046  }
0xba: {  	s29 =	simm.s32 $0x9;
	_ =	strace $0x80000048  }
0xbb: {  	_ =	swait.ge [sflag:s29], $0x1  }
0xbc: {  	[sflag:s29] =	ssyncadd.s32 $0xFFFFFFFF  }
0xbd: {  	_ =	strace $0x90000048  }
0xbe: {  	_ =	sfence  }
0xbf: {  	s30 =	sld [smem:$0x0];
	_ =	sdelay $0x2  }
0xc0: {  	s31 =	sshll.u32 s1, $0xD;
	s1 =	sshrl.u32 s1, $0x2  }
0xc1: {  	s3 =	sand.u32 $0x4000, s31;
	s1 =	sadd.s32 s1, s30  }
0xc2: {  	s0 =	sor.u32 s3, s0;
	s1 =	sshll.u32 s1, $0x11  }
0xc3: {  	s0 =	sor.u32 s1, s0  }
0xc4: {  	s0 =	sadd.s32 $0x8F2B, s0  }
0xc5: {  	[sflag:s0] =	ssyncadd.remote.s32 $0x1  }
0xc6: {  	_ =	sfence.sel $0xFFFF  }
0xc7: {  	[dreg:$0x0] =	wrdreg $0xFFFFFFFF;
	(pc) =	sbr.abs _section_cstart, $3  }
0xc8: {  	[dreg:$0x1] =	wrdreg $0xFFFFFFFF  }
0xc9: {  	_ =	task.clear_ibuf [dreg:s9], $0x2FFFF;
	_ =	strace $0x9FFFFFFF  }
0xca: {  	(tm) =	ssettm $0x7FFFFFFF  }
0xcb: {  	_ =	shalt  }
tec
execute0_lowered:
.L_overlay_start_1:
0x0: {  	(tag) =	ssettag $0x1  }
0x1: {  	s0 =	srdreg.scid  }
0x2: {  	s10 =	sand.u32 $0x1, s0;
	s0 =	stileid.u32  }
0x3: {  	s5 =	sshll.u32 s0, $0x1;
	s6 =	ssub.s32 $0x0, s10  }
0x4: {  	p0 =	sne.s32 s5, s6  }
.Ltmp0:
0x5: {  	s2 =	rddreg [dreg:$0x0];
	(pc) =	sbr.rel @p0 .LBB2_4-.Ltmp0, $4  }
0x6: {  	s3 =	rddreg [dreg:$0x1]  }
0x7: {  	s4 =	rddreg [dreg:$0x2]  }
0x8: {  	s9 =	rddreg [dreg:$0x3]  }
0x9: {  	s1 =	rddreg [dreg:$0x4];
	_ =	strace $0x80000047  }
0xa: {  	s6 =	simm.s32 $0x0;
	s5 =	simm.s32 $0x1  }
0xb: {  	[tilespmem:s6], [sflag:$0x1] =	stream.linear.gather [hbm4b:s2+s6], $0x80, $0x38;
	[tilespmem:$0x200] =	vst v63  }
0xc: {  	_ =	swait.ge [sflag:s5], $0x80  }
0xd: {  	[sflag:s5] =	ssyncset.done $0x0  }
0xe: {  	s7 =	simm.s32 $0x80;
	[sflag:s5] =	ssyncadd.s32 $0xFFFFFF80  }
0xf: {  	[tilespmem:s7], [sflag:$0x1] =	stream.linear.gather [hbm4b:s3+s6], $0x80, $0x38;
	[tilespmem:$0x200] =	vst v63  }
0x10: {  	_ =	swait.ge [sflag:s5], $0x80  }
0x11: {  	[sflag:s5] =	ssyncset.done $0x0  }
0x12: {  	s8 =	simm.s32 $0x100;
	[sflag:s5] =	ssyncadd.s32 $0xFFFFFF80  }
0x13: {  	[tilespmem:s8], [sflag:$0x1] =	stream.linear.gather [hbm4b:s4+s6], $0x80, $0x38;
	[tilespmem:$0x200] =	vst v63  }
0x14: {  	_ =	swait.ge [sflag:s5], $0x80  }
0x15: {  	[sflag:s5] =	ssyncset.done $0x0  }
0x16: {  	[sflag:s5] =	ssyncadd.s32 $0xFFFFFF80  }
0x17: {  	v0 =	vld [tilespmem:$0x100];
	_ =	sdelay $0x7  }
0x18: {  	v0 =	vld.idx.msk [tilespmem:v0+s6+$0x0], $0xffff;
	_ =	sdelay $0x1  }
0x19: {  	v1 =	vld [tilespmem:$0x80];
	_ =	sdelay $0x2  }
0x1a: {  	(erf) = vrcp.f32 v0;
	_ =	sdelay $0x3  }
0x1b: {  	v36 =	vld [tilespmem:$0x110]  }
0x1c: {  	v35 =	vld.idx.msk [tilespmem:v1+s6+$0x0], $0xffff;
	_ =	sdelay $0x3  }
0x1d: {  	v2 =	vpop (erf)  }
0x1e: {  	v0 =	vmul.f32 v2, v35;
	_ =	sdelay $0x1  }
0x1f: {  	[tilespmem:$0x180] =	vst v0  }
0x20: {  	v0 =	vld.idx.msk [tilespmem:v36+s6+$0x0], $0xffff;
	_ =	sdelay $0x1  }
0x21: {  	v37 =	vld [tilespmem:$0x90];
	_ =	sdelay $0x2  }
0x22: {  	(erf) = vrcp.f32 v0;
	_ =	sdelay $0x3  }
0x23: {  	v39 =	vld [tilespmem:$0x120]  }
0x24: {  	v38 =	vld.idx.msk [tilespmem:v37+s6+$0x0], $0xffff;
	_ =	sdelay $0x3  }
0x25: {  	v40 =	vpop (erf)  }
0x26: {  	v0 =	vmul.f32 v40, v38;
	_ =	sdelay $0x1  }
0x27: {  	[tilespmem:$0x190] =	vst v0  }
0x28: {  	v0 =	vld.idx.msk [tilespmem:v39+s6+$0x0], $0xffff;
	_ =	sdelay $0x1  }
0x29: {  	v41 =	vld [tilespmem:$0xA0];
	_ =	sdelay $0x2  }
0x2a: {  	(erf) = vrcp.f32 v0;
	_ =	sdelay $0x3  }
0x2b: {  	v43 =	vld [tilespmem:$0x130]  }
0x2c: {  	v42 =	vld.idx.msk [tilespmem:v41+s6+$0x0], $0xffff;
	_ =	sdelay $0x3  }
0x2d: {  	v44 =	vpop (erf)  }
0x2e: {  	v0 =	vmul.f32 v44, v42;
	_ =	sdelay $0x1  }
0x2f: {  	[tilespmem:$0x1A0] =	vst v0  }
0x30: {  	v0 =	vld.idx.msk [tilespmem:v43+s6+$0x0], $0xffff;
	_ =	sdelay $0x1  }
0x31: {  	v45 =	vld [tilespmem:$0xB0];
	_ =	sdelay $0x2  }
0x32: {  	(erf) = vrcp.f32 v0;
	_ =	sdelay $0x3  }
0x33: {  	v47 =	vld [tilespmem:$0x140]  }
0x34: {  	v46 =	vld.idx.msk [tilespmem:v45+s6+$0x0], $0xffff;
	_ =	sdelay $0x3  }
0x35: {  	v48 =	vpop (erf)  }
0x36: {  	v0 =	vmul.f32 v48, v46;
	_ =	sdelay $0x1  }
0x37: {  	[tilespmem:$0x1B0] =	vst v0  }
0x38: {  	v0 =	vld.idx.msk [tilespmem:v47+s6+$0x0], $0xffff;
	_ =	sdelay $0x1  }
0x39: {  	v49 =	vld [tilespmem:$0xC0];
	_ =	sdelay $0x2  }
0x3a: {  	(erf) = vrcp.f32 v0;
	_ =	sdelay $0x3  }
0x3b: {  	v51 =	vld [tilespmem:$0x150]  }
0x3c: {  	v50 =	vld.idx.msk [tilespmem:v49+s6+$0x0], $0xffff;
	_ =	sdelay $0x3  }
0x3d: {  	v52 =	vpop (erf)  }
0x3e: {  	v0 =	vmul.f32 v52, v50;
	_ =	sdelay $0x1  }
0x3f: {  	[tilespmem:$0x1C0] =	vst v0  }
0x40: {  	v0 =	vld.idx.msk [tilespmem:v51+s6+$0x0], $0xffff;
	_ =	sdelay $0x1  }
0x41: {  	v53 =	vld [tilespmem:$0xD0];
	_ =	sdelay $0x2  }
0x42: {  	(erf) = vrcp.f32 v0;
	_ =	sdelay $0x3  }
0x43: {  	v55 =	vld [tilespmem:$0x160]  }
0x44: {  	v54 =	vld.idx.msk [tilespmem:v53+s6+$0x0], $0xffff;
	_ =	sdelay $0x3  }
0x45: {  	v56 =	vpop (erf)  }
0x46: {  	v0 =	vmul.f32 v56, v54;
	_ =	sdelay $0x1  }
0x47: {  	[tilespmem:$0x1D0] =	vst v0  }
0x48: {  	v0 =	vld.idx.msk [tilespmem:v55+s6+$0x0], $0xffff;
	_ =	sdelay $0x1  }
0x49: {  	v57 =	vld [tilespmem:$0xE0];
	_ =	sdelay $0x2  }
0x4a: {  	(erf) = vrcp.f32 v0;
	_ =	sdelay $0x3  }
0x4b: {  	v59 =	vld [tilespmem:$0x170]  }
0x4c: {  	v58 =	vld.idx.msk [tilespmem:v57+s6+$0x0], $0xffff;
	_ =	sdelay $0x3  }
0x4d: {  	v60 =	vpop (erf)  }
0x4e: {  	v0 =	vmul.f32 v60, v58;
	_ =	sdelay $0x1  }
0x4f: {  	[tilespmem:$0x1E0] =	vst v0  }
0x50: {  	v0 =	vld.idx.msk [tilespmem:v59+s6+$0x0], $0xffff;
	_ =	sdelay $0x1  }
0x51: {  	v61 =	vld [tilespmem:$0xF0];
	_ =	sdelay $0x2  }
0x52: {  	(erf) = vrcp.f32 v0;
	_ =	sdelay $0x4  }
0x53: {  	v62 =	vld.idx.msk [tilespmem:v61+s6+$0x0], $0xffff  }
0x54: {  	s10 =	ssub.s32 $0x2, s10  }
0x55: {  	s11 =	sshrl.u32 s10, $0x1  }
0x56: {  	s10 =	ssub.s32 s10, s11  }
0x57: {  	s11 =	smax.u32 s10, $0x1;
	v63 =	vpop (erf)  }
0x58: {  	p0 =	sne.s32 s11, $0x1;
	v0 =	vmul.f32 v63, v62  }
.Ltmp1:
0x59: {  	_ = 	snop;
	(pc) =	sbr.rel @!p0 .LBB2_3-.Ltmp1, $4  }
0x5a: {  	s9 =	sadd.s32 $0xE00, s9;
	s10 =	simm.s32 $0x180;
	[tilespmem:$0x1F0] =	vst v0  }
0x5b: {  	[hbm4b:s9+s6] =	stream.linear.scatter [tilespmem:s10], [sflag:$0x1], $0x80, $0x38;
	[tilespmem:$0x200] =	vst v63  }
0x5c: {  	_ =	swait.ge [sflag:s5], $0x80  }
0x5d: {  	s11 =	sadd.s32 $0xFFFFFFFF, s11;
	[sflag:s5] =	ssyncset.done $0x0  }
.LBB2_2:
0x5e: {  	p0 =	sne.s32 s11, $0x1;
	s11 =	sadd.s32 $0xFFFFFFFF, s11;
	[sflag:s5] =	ssyncadd.s32 $0xFFFFFF80  }
0x5f: {  	[tilespmem:s6], [sflag:$0x1] =	stream.linear.gather [hbm4b:s2+s6], $0x80, $0x38;
	[tilespmem:$0x200] =	vst v63  }
0x60: {  	_ =	swait.ge [sflag:s5], $0x80  }
0x61: {  	[sflag:s5] =	ssyncset.done $0x0  }
0x62: {  	[sflag:s5] =	ssyncadd.s32 $0xFFFFFF80  }
0x63: {  	[tilespmem:s7], [sflag:$0x1] =	stream.linear.gather [hbm4b:s3+s6], $0x80, $0x38;
	[tilespmem:$0x200] =	vst v63  }
0x64: {  	_ =	swait.ge [sflag:s5], $0x80  }
0x65: {  	[sflag:s5] =	ssyncset.done $0x0  }
0x66: {  	[sflag:s5] =	ssyncadd.s32 $0xFFFFFF80  }
0x67: {  	[tilespmem:s8], [sflag:$0x1] =	stream.linear.gather [hbm4b:s4+s6], $0x80, $0x38;
	[tilespmem:$0x200] =	vst v63  }
0x68: {  	_ =	swait.ge [sflag:s5], $0x80  }
0x69: {  	[sflag:s5] =	ssyncset.done $0x0  }
0x6a: {  	[sflag:s5] =	ssyncadd.s32 $0xFFFFFF80  }
0x6b: {  	v0 =	vld [tilespmem:$0x100]  }
0x6c: {  	v1 =	vld [tilespmem:$0x80];
	_ =	sdelay $0x6  }
0x6d: {  	v0 =	vld.idx.msk [tilespmem:v0+s6+$0x0], $0xffff;
	_ =	sdelay $0x5  }
0x6e: {  	(erf) = vrcp.f32 v0;
	_ =	sdelay $0x3  }
0x6f: {  	v0 =	vld.idx.msk [tilespmem:v1+s6+$0x0], $0xffff  }
0x70: {  	v1 =	vld [tilespmem:$0x110];
	_ =	sdelay $0x3  }
0x71: {  	v2 =	vpop (erf)  }
0x72: {  	v0 =	vmul.f32 v2, v0;
	_ =	sdelay $0x1  }
0x73: {  	[tilespmem:$0x180] =	vst v0  }
0x74: {  	v0 =	vld.idx.msk [tilespmem:v1+s6+$0x0], $0xffff;
	_ =	sdelay $0x1  }
0x75: {  	v1 =	vld [tilespmem:$0x90];
	_ =	sdelay $0x3  }
0x76: {  	(erf) = vrcp.f32 v0;
	_ =	sdelay $0x3  }
0x77: {  	v0 =	vld.idx.msk [tilespmem:v1+s6+$0x0], $0xffff  }
0x78: {  	v1 =	vld [tilespmem:$0x120];
	_ =	sdelay $0x3  }
0x79: {  	v2 =	vpop (erf)  }
0x7a: {  	v0 =	vmul.f32 v2, v0;
	_ =	sdelay $0x1  }
0x7b: {  	[tilespmem:$0x190] =	vst v0  }
0x7c: {  	v0 =	vld.idx.msk [tilespmem:v1+s6+$0x0], $0xffff;
	_ =	sdelay $0x1  }
0x7d: {  	v1 =	vld [tilespmem:$0xA0];
	_ =	sdelay $0x3  }
0x7e: {  	(erf) = vrcp.f32 v0;
	_ =	sdelay $0x3  }
0x7f: {  	v0 =	vld.idx.msk [tilespmem:v1+s6+$0x0], $0xffff  }
0x80: {  	v1 =	vld [tilespmem:$0x130];
	_ =	sdelay $0x3  }
0x81: {  	v2 =	vpop (erf)  }
0x82: {  	v0 =	vmul.f32 v2, v0;
	_ =	sdelay $0x1  }
0x83: {  	[tilespmem:$0x1A0] =	vst v0  }
0x84: {  	v0 =	vld.idx.msk [tilespmem:v1+s6+$0x0], $0xffff;
	_ =	sdelay $0x1  }
0x85: {  	v1 =	vld [tilespmem:$0xB0];
	_ =	sdelay $0x3  }
0x86: {  	(erf) = vrcp.f32 v0;
	_ =	sdelay $0x3  }
0x87: {  	v0 =	vld.idx.msk [tilespmem:v1+s6+$0x0], $0xffff  }
0x88: {  	v1 =	vld [tilespmem:$0x140];
	_ =	sdelay $0x3  }
0x89: {  	v2 =	vpop (erf)  }
0x8a: {  	v0 =	vmul.f32 v2, v0;
	_ =	sdelay $0x1  }
0x8b: {  	[tilespmem:$0x1B0] =	vst v0  }
0x8c: {  	v0 =	vld.idx.msk [tilespmem:v1+s6+$0x0], $0xffff;
	_ =	sdelay $0x1  }
0x8d: {  	v1 =	vld [tilespmem:$0xC0];
	_ =	sdelay $0x3  }
0x8e: {  	(erf) = vrcp.f32 v0;
	_ =	sdelay $0x3  }
0x8f: {  	v0 =	vld.idx.msk [tilespmem:v1+s6+$0x0], $0xffff  }
0x90: {  	v1 =	vld [tilespmem:$0x150]  }
0x91: {  	v2 =	vld [tilespmem:$0xD0];
	_ =	sdelay $0x2  }
0x92: {  	v3 =	vpop (erf)  }
0x93: {  	v0 =	vmul.f32 v3, v0;
	_ =	sdelay $0x1  }
0x94: {  	[tilespmem:$0x1C0] =	vst v0  }
0x95: {  	v0 =	vld.idx.msk [tilespmem:v1+s6+$0x0], $0xffff  }
0x96: {  	v1 =	vld.idx.msk [tilespmem:v2+s6+$0x0], $0xffff;
	_ =	sdelay $0x4  }
0x97: {  	(erf) = vrcp.f32 v0;
	_ =	sdelay $0x4  }
0x98: {  	v0 =	vld [tilespmem:$0x160]  }
0x99: {  	v2 =	vld [tilespmem:$0xE0];
	_ =	sdelay $0x2  }
0x9a: {  	v3 =	vpop (erf)  }
0x9b: {  	v1 =	vmul.f32 v3, v1;
	_ =	sdelay $0x1  }
0x9c: {  	[tilespmem:$0x1D0] =	vst v1  }
0x9d: {  	v0 =	vld.idx.msk [tilespmem:v0+s6+$0x0], $0xffff  }
0x9e: {  	v1 =	vld.idx.msk [tilespmem:v2+s6+$0x0], $0xffff;
	_ =	sdelay $0x4  }
0x9f: {  	(erf) = vrcp.f32 v0;
	_ =	sdelay $0x4  }
0xa0: {  	v0 =	vld [tilespmem:$0x170]  }
0xa1: {  	v2 =	vld [tilespmem:$0xF0];
	_ =	sdelay $0x2  }
0xa2: {  	v3 =	vpop (erf)  }
0xa3: {  	v1 =	vmul.f32 v3, v1;
	_ =	sdelay $0x1  }
0xa4: {  	[tilespmem:$0x1E0] =	vst v1  }
0xa5: {  	v0 =	vld.idx.msk [tilespmem:v0+s6+$0x0], $0xffff  }
0xa6: {  	v1 =	vld.idx.msk [tilespmem:v2+s6+$0x0], $0xffff;
	_ =	sdelay $0x4  }
0xa7: {  	(erf) = vrcp.f32 v0;
	_ =	sdelay $0x8  }
0xa8: {  	v0 =	vpop (erf)  }
0xa9: {  	v0 =	vmul.f32 v0, v1  }
.Ltmp2:
0xaa: {  	(pc) =	sbr.rel @p0 .LBB2_2-.Ltmp2, $4  }
0xab: {  	[tilespmem:$0x1F0] =	vst v0  }
0xac: {  	[hbm4b:s9+s6] =	stream.linear.scatter [tilespmem:s10], [sflag:$0x1], $0x80, $0x38;
	[tilespmem:$0x200] =	vst v63  }
0xad: {  	_ =	swait.ge [sflag:s5], $0x80  }
0xae: {  	[sflag:s5] =	ssyncset.done $0x0  }
.LBB2_3:
0xaf: {  	[sflag:s5] =	ssyncadd.s32 $0xFFFFFF80  }
.LBB2_4:
0xb0: {  	_ =	sfence.sel $0x180000  }
0xb1: {  	[bflag:$0x0] =	sbarrier.arrive $0xFFFF  }
0xb2: {  	p0 =	sne.s32 s0, $0x0;
	_ =	strace $0x90000047  }
0xb3: {  	s0 =	sadd.s32 @!p0 $0x100000, s1;
	[bflag:$0x2] =	sbarrier.arrive $0xFFFF  }
0xb4: {  	[sflag:s0] =	ssyncadd.tile.s32 @!p0 $0x1;
	_ =	shalt  }
.Lfunc_end2:
_tile_overlayer_lowered:
.L_overlay_start_2:
0xb5: {  	(tag) =	ssettag $0x2  }
0xb6: {  	s0 =	rddreg [dreg:$0x0];
	s2 =	stileid.u32  }
0xb7: {  	s1 =	rddreg [dreg:$0x1];
	p0 =	sne.s32 s2, $0x0  }
0xb8: {  	s3 =	rddreg [dreg:$0x2];
	[bflag:$0x3] =	sbarrier.arrive $0xFFFF;
	s2 =	simm.s32 @!p0 $0x1C01  }
0xb9: {  	[timem:s3], [sflag:s2] =	dma.local @!p0 [hbm:s0], s1  }
0xba: {  	s0 =	simm.s32 @!p0 $0x1  }
0xbb: {  	_ =	swait.ge @!p0 [sflag:s0], s1  }
0xbc: {  	s1 =	ssub.s32 @!p0 $0x0, s1;
	[sflag:s0] =	ssyncset.done @!p0 $0x0  }
0xbd: {  	[sflag:s0] =	ssyncadd.s32 @!p0 s1  }
0xbe: {  	[bflag:$0x3] =	sbarrier.arrive $0xFFFF  }
0xbf: {  	_ =	shalt  }

</sc_bundles>
